<compile_context>
chip_gen: v7x
topology: tpu7x:2x2x1
jax: 0.10.2.dev20260603
libtpu: 0.0.44.dev20260713+nightly
codegen_flags: <defaults>
</compile_context>

<pallas_src>
import functools

import jax
import jax.numpy as jnp
from jax import lax
from jax.experimental import pallas as pl
from jax.experimental.pallas import tpu as pltpu
from jax.experimental.pallas import tpu_sc as plsc

VOCAB = 100000
DIM = 128
BATCH = 4096
SEQ = 50

NC = 2
NS = 16
NW = NC * NS
BPW = BATCH // NW
NG = SEQ
NBUF = 2
LA = 1


def _emb_body(idx_hbm, table_hbm, out_hbm, idx_v, buf_v, gsem, ssem):
    wid = lax.axis_index("s") * NC + lax.axis_index("c")
    b0 = wid * BPW
    pltpu.sync_copy(idx_hbm.at[:, pl.ds(b0, BPW)], idx_v)

    def start_gather(g, b):
        pltpu.async_copy(table_hbm.at[idx_v.at[g]], buf_v.at[b], gsem.at[b])

    def wait_gather(g, b):
        pltpu.make_async_copy(
            table_hbm.at[idx_v.at[g]], buf_v.at[b], gsem.at[b]).wait()

    def start_store(g, b):
        pltpu.async_copy(
            buf_v.at[b], out_hbm.at[g, pl.ds(b0, BPW)], ssem.at[b])

    def wait_store(g, b):
        pltpu.make_async_copy(
            buf_v.at[b], out_hbm.at[g, pl.ds(b0, BPW)], ssem.at[b]).wait()

    for g in range(LA):
        start_gather(g, g % NBUF)

    def step(j, carry):
        for b in range(NBUF):
            g = j * NBUF + b
            gl = g + LA
            bl = (b + LA) % NBUF

            @pl.when(gl < NG)
            def _():
                @pl.when(gl - NBUF >= 0)
                def _():
                    wait_store(gl - NBUF, bl)
                start_gather(gl, bl)

            wait_gather(g, b)
            start_store(g, b)
        return carry

    lax.fori_loop(0, NG // NBUF, step, 0)

    for g in range(NG - NBUF, NG):
        wait_store(g, g % NBUF)


def kernel(x, token_embedding):
    idx = x.T.astype(jnp.int32)
    mesh = plsc.VectorSubcoreMesh(core_axis_name="c", subcore_axis_name="s")
    grid_kernel = functools.partial(
        pl.kernel,
        out_type=jax.ShapeDtypeStruct((SEQ, BATCH, DIM), jnp.float32),
        mesh=mesh,
        scratch_types=[
            pltpu.VMEM((SEQ, BPW), jnp.int32),
            pltpu.VMEM((NBUF, BPW, DIM), jnp.float32),
            pltpu.SemaphoreType.DMA((NBUF,)),
            pltpu.SemaphoreType.DMA((NBUF,)),
        ],
    )
    out = grid_kernel(_emb_body)(idx, token_embedding)
    return out.transpose(1, 0, 2)

# --- scband reference (transcript-rebuilt; emitter-appended) ---
"""Pipeline reference for scband-text-embedding-41051297415183 (READ-ONLY COPY).

The authoritative reference and input builder live on the scoring server;
editing this copy changes nothing except your own understanding.
"""

import jax, jax.numpy as jnp
import numpy as np

VOCAB = 100000
DIM = 128
BATCH = 4096
SEQ = 50

def setup_inputs(seed: int = 0) -> dict:
    key = jax.random.key(seed)
    k_idx, k_tab = jax.random.split(key)
    x = jax.random.randint(k_idx, (BATCH, SEQ), 0, VOCAB, dtype=jnp.int64 if jax.config.jax_enable_x64 else jnp.int32)
    token_embedding = jax.random.normal(k_tab, (VOCAB, DIM), dtype=jnp.float32)
    return {"x": x, "token_embedding": token_embedding}

def reference(x, token_embedding):
    # nn.Embedding forward: gather rows of the embedding table
    return jnp.take(token_embedding, x, axis=0)

if __name__ == "__main__":
    import jax
    _d = setup_inputs()
    print(jax.jit(kernel)(*tuple(_d.values())))

</pallas_src>

<mosaic_0001>
#map = affine_map<(d0, d1) -> (0, 0)>
#map1 = affine_map<(d0, d1) -> (0, 0, 0)>
module attributes {stable_mosaic.version = 14 : i64} {
  func.func @_emb_body(%arg0: i32, %arg1: i32, %arg2: memref<50x4096xi32, #tpu.memory_space<hbm>>, %arg3: memref<100000x128xf32, #tpu.memory_space<hbm>>, %arg4: memref<50x4096x128xf32, #tpu.memory_space<hbm>>, %arg5: memref<50x128xi32, #tpu.memory_space<vmem>>, %arg6: memref<2x128x128xf32, #tpu.memory_space<vmem>>, %arg7: memref<2x!tpu.dma_semaphore, #tpu.memory_space<semaphore_mem>>, %arg8: memref<2x!tpu.dma_semaphore, #tpu.memory_space<semaphore_mem>>) attributes {dimension_semantics = [#tpu.dimension_semantics<core_parallel>, #tpu.dimension_semantics<subcore_parallel>], iteration_bounds = array<i64: 2, 16>, scalar_prefetch = 0 : i64, scratch_operands = 4 : i64, tpu.core_type = #tpu.core_type<sc_vector_subcore>, window_params = [{transform_indices = #map}, {transform_indices = #map}, {transform_indices = #map1}]} {
    %mul3A = arith.constant 2 : i32
    %mul3A_0 = arith.muli %arg1, %mul3A : i32
    %add3A = arith.addi %mul3A_0, %arg0 : i32
    %mul3A_1 = arith.constant 128 : i32
    %mul3A_2 = arith.muli %add3A, %mul3A_1 : i32
    "tpu.region"() ({
      %run_scoped3A = tpu.sem_alloc : memref<!tpu.dma_semaphore, #tpu.memory_space<semaphore_mem>>
      %dma_start3A_59 = arith.constant 0 : i32
      %dma_start3A_60 = tpu.memref_slice %arg2[%dma_start3A_59, %mul3A_2] : memref<50x4096xi32, #tpu.memory_space<hbm>> -> memref<50x128xi32, #tpu.memory_space<hbm>>
      %dma_start3A_61 = arith.constant 0 : i32
      %dma_start3A_62 = tpu.memref_slice %arg2[%dma_start3A_61, %mul3A_2] : memref<50x4096xi32, #tpu.memory_space<hbm>> -> memref<50x128xi32, #tpu.memory_space<hbm>>
      tpu.enqueue_dma source(%dma_start3A_62 : memref<50x128xi32, #tpu.memory_space<hbm>>) target(%arg5 : memref<50x128xi32, #tpu.memory_space<vmem>>) target_semaphore(%run_scoped3A : memref<!tpu.dma_semaphore, #tpu.memory_space<semaphore_mem>>)
      %dma_wait3A_63 = arith.constant 0 : i32
      %dma_wait3A_64 = tpu.memref_slice %arg2[%dma_wait3A_63, %mul3A_2] : memref<50x4096xi32, #tpu.memory_space<hbm>> -> memref<50x128xi32, #tpu.memory_space<hbm>>
      %dma_wait3A_65 = arith.constant 0 : i32
      %dma_wait3A_66 = tpu.memref_slice %arg2[%dma_wait3A_65, %mul3A_2] : memref<50x4096xi32, #tpu.memory_space<hbm>> -> memref<50x128xi32, #tpu.memory_space<hbm>>
      tpu.wait_dma2 semaphore(%run_scoped3A : memref<!tpu.dma_semaphore, #tpu.memory_space<semaphore_mem>>) src(%dma_wait3A_66 : memref<50x128xi32, #tpu.memory_space<hbm>>) dst(%arg5 : memref<50x128xi32, #tpu.memory_space<vmem>>)
      tpu.yield
    }) : () -> ()
    %dma_start3A = arith.constant 0 : i32
    %dma_start3A_3 = arith.constant 0 : i32
    %dma_start3A_4 = arith.constant 0 : i32
    %dma_start3A_5 = arith.constant 0 : i32
    %dma_start3A_6 = arith.constant 0 : i32
    %dma_start3A_7 = tpu.memref_slice %arg6[%dma_start3A_3, %dma_start3A_5, %dma_start3A_6] : memref<2x128x128xf32, #tpu.memory_space<vmem>> -> memref<1x128x128xf32, #tpu.memory_space<vmem>>
    %dma_start3A_8 = tpu.memref_squeeze %dma_start3A_7 : memref<1x128x128xf32, #tpu.memory_space<vmem>> -> memref<128x128xf32, #tpu.memory_space<vmem>>
    %dma_start3A_9 = arith.constant 0 : i32
    %dma_start3A_10 = tpu.memref_slice %arg5[%dma_start3A, %dma_start3A_9] : memref<50x128xi32, #tpu.memory_space<vmem>> -> memref<1x128xi32, #tpu.memory_space<vmem>>
    %dma_start3A_11 = tpu.memref_squeeze %dma_start3A_10 : memref<1x128xi32, #tpu.memory_space<vmem>> -> memref<128xi32, #tpu.memory_space<vmem>>
    %dma_start3A_12 = arith.constant 0 : i32
    %dma_start3A_13 = arith.constant 0 : i32
    %dma_start3A_14 = tpu.memref_slice %arg3[%dma_start3A_12, %dma_start3A_13] : memref<100000x128xf32, #tpu.memory_space<hbm>> -> memref<100000x128xf32, #tpu.memory_space<hbm>>
    %dma_start3A_15 = tpu.memref_slice %arg7[%dma_start3A_4] : memref<2x!tpu.dma_semaphore, #tpu.memory_space<semaphore_mem>> -> memref<1x!tpu.dma_semaphore, #tpu.memory_space<semaphore_mem>>
    %dma_start3A_16 = tpu.memref_squeeze %dma_start3A_15 : memref<1x!tpu.dma_semaphore, #tpu.memory_space<semaphore_mem>> -> memref<!tpu.dma_semaphore, #tpu.memory_space<semaphore_mem>>
    tpu.enqueue_indirect_dma source(%dma_start3A_14 : memref<100000x128xf32, #tpu.memory_space<hbm>>) target(%dma_start3A_8 : memref<128x128xf32, #tpu.memory_space<vmem>>) offsets(%dma_start3A_11 : memref<128xi32, #tpu.memory_space<vmem>>) semaphore(%dma_start3A_16 : memref<!tpu.dma_semaphore, #tpu.memory_space<semaphore_mem>>)
    %scan3A = arith.constant 0 : i32
    %scan3A_17 = arith.constant 0 : i32
    %scan3A_18 = arith.constant 25 : i32
    %scan3A_19 = arith.addi %scan3A_17, %scan3A_18 : i32
    %scan3A_20 = arith.constant 1 : i32
    scf.for %scan3A_59 = %scan3A_17 to %scan3A_19 step %scan3A_20  : i32 {
      %mul3A_60 = arith.constant 2 : i32
      %mul3A_61 = arith.muli %scan3A_59, %mul3A_60 : i32
      %add3A_62 = arith.constant 0 : i32
      %add3A_63 = arith.addi %mul3A_61, %add3A_62 : i32
      %add3A_64 = arith.constant 1 : i32
      %add3A_65 = arith.addi %add3A_63, %add3A_64 : i32
      %lt3A = arith.constant 50 : i32
      %lt3A_66 = arith.cmpi slt, %add3A_65, %lt3A : i32
      %convert_element_type3A = arith.extui %lt3A_66 : i1 to i32
      %cond3A = arith.constant 0 : i32
      %cond3A_67 = arith.cmpi ne, %convert_element_type3A, %cond3A : i32
      scf.if %cond3A_67 {
        %sub3A = arith.constant 2 : i32
        %sub3A_143 = arith.subi %add3A_65, %sub3A : i32
        %ge3A = arith.constant 0 : i32
        %ge3A_144 = arith.cmpi sge, %sub3A_143, %ge3A : i32
        %convert_element_type3A_145 = arith.extui %ge3A_144 : i1 to i32
        %cond3A_146 = arith.constant 0 : i32
        %cond3A_147 = arith.cmpi ne, %convert_element_type3A_145, %cond3A_146 : i32
        scf.if %cond3A_147 {
          %sub3A_162 = arith.constant 2 : i32
          %sub3A_163 = arith.subi %add3A_65, %sub3A_162 : i32
          %dma_wait3A_164 = arith.constant 1 : i32
          %dma_wait3A_165 = arith.constant 1 : i32
          %dma_wait3A_166 = arith.constant 0 : i32
          %dma_wait3A_167 = arith.constant 0 : i32
          %dma_wait3A_168 = tpu.memref_slice %arg6[%dma_wait3A_164, %dma_wait3A_166, %dma_wait3A_167] : memref<2x128x128xf32, #tpu.memory_space<vmem>> -> memref<1x128x128xf32, #tpu.memory_space<vmem>>
          %dma_wait3A_169 = tpu.memref_squeeze %dma_wait3A_168 : memref<1x128x128xf32, #tpu.memory_space<vmem>> -> memref<128x128xf32, #tpu.memory_space<vmem>>
          %dma_wait3A_170 = arith.constant 0 : i32
          %dma_wait3A_171 = tpu.memref_slice %arg4[%sub3A_163, %mul3A_2, %dma_wait3A_170] : memref<50x4096x128xf32, #tpu.memory_space<hbm>> -> memref<1x128x128xf32, #tpu.memory_space<hbm>>
          %dma_wait3A_172 = tpu.memref_squeeze %dma_wait3A_171 : memref<1x128x128xf32, #tpu.memory_space<hbm>> -> memref<128x128xf32, #tpu.memory_space<hbm>>
          %dma_wait3A_173 = tpu.memref_slice %arg8[%dma_wait3A_165] : memref<2x!tpu.dma_semaphore, #tpu.memory_space<semaphore_mem>> -> memref<1x!tpu.dma_semaphore, #tpu.memory_space<semaphore_mem>>
          %dma_wait3A_174 = tpu.memref_squeeze %dma_wait3A_173 : memref<1x!tpu.dma_semaphore, #tpu.memory_space<semaphore_mem>> -> memref<!tpu.dma_semaphore, #tpu.memory_space<semaphore_mem>>
          %dma_wait3A_175 = arith.constant 0 : i32
          %dma_wait3A_176 = tpu.memref_slice %arg4[%sub3A_163, %mul3A_2, %dma_wait3A_175] : memref<50x4096x128xf32, #tpu.memory_space<hbm>> -> memref<1x128x128xf32, #tpu.memory_space<hbm>>
          %dma_wait3A_177 = tpu.memref_squeeze %dma_wait3A_176 : memref<1x128x128xf32, #tpu.memory_space<hbm>> -> memref<128x128xf32, #tpu.memory_space<hbm>>
          %dma_wait3A_178 = arith.constant 0 : i32
          %dma_wait3A_179 = arith.constant 0 : i32
          %dma_wait3A_180 = tpu.memref_slice %arg6[%dma_wait3A_164, %dma_wait3A_178, %dma_wait3A_179] : memref<2x128x128xf32, #tpu.memory_space<vmem>> -> memref<1x128x128xf32, #tpu.memory_space<vmem>>
          %dma_wait3A_181 = tpu.memref_squeeze %dma_wait3A_180 : memref<1x128x128xf32, #tpu.memory_space<vmem>> -> memref<128x128xf32, #tpu.memory_space<vmem>>
          tpu.wait_dma2 semaphore(%dma_wait3A_174 : memref<!tpu.dma_semaphore, #tpu.memory_space<semaphore_mem>>) src(%dma_wait3A_181 : memref<128x128xf32, #tpu.memory_space<vmem>>) dst(%dma_wait3A_177 : memref<128x128xf32, #tpu.memory_space<hbm>>)
        } else {
        }
        %dma_start3A_148 = arith.constant 1 : i32
        %dma_start3A_149 = arith.constant 1 : i32
        %dma_start3A_150 = arith.constant 0 : i32
        %dma_start3A_151 = arith.constant 0 : i32
        %dma_start3A_152 = tpu.memref_slice %arg6[%dma_start3A_148, %dma_start3A_150, %dma_start3A_151] : memref<2x128x128xf32, #tpu.memory_space<vmem>> -> memref<1x128x128xf32, #tpu.memory_space<vmem>>
        %dma_start3A_153 = tpu.memref_squeeze %dma_start3A_152 : memref<1x128x128xf32, #tpu.memory_space<vmem>> -> memref<128x128xf32, #tpu.memory_space<vmem>>
        %dma_start3A_154 = arith.constant 0 : i32
        %dma_start3A_155 = tpu.memref_slice %arg5[%add3A_65, %dma_start3A_154] : memref<50x128xi32, #tpu.memory_space<vmem>> -> memref<1x128xi32, #tpu.memory_space<vmem>>
        %dma_start3A_156 = tpu.memref_squeeze %dma_start3A_155 : memref<1x128xi32, #tpu.memory_space<vmem>> -> memref<128xi32, #tpu.memory_space<vmem>>
        %dma_start3A_157 = arith.constant 0 : i32
        %dma_start3A_158 = arith.constant 0 : i32
        %dma_start3A_159 = tpu.memref_slice %arg3[%dma_start3A_157, %dma_start3A_158] : memref<100000x128xf32, #tpu.memory_space<hbm>> -> memref<100000x128xf32, #tpu.memory_space<hbm>>
        %dma_start3A_160 = tpu.memref_slice %arg7[%dma_start3A_149] : memref<2x!tpu.dma_semaphore, #tpu.memory_space<semaphore_mem>> -> memref<1x!tpu.dma_semaphore, #tpu.memory_space<semaphore_mem>>
        %dma_start3A_161 = tpu.memref_squeeze %dma_start3A_160 : memref<1x!tpu.dma_semaphore, #tpu.memory_space<semaphore_mem>> -> memref<!tpu.dma_semaphore, #tpu.memory_space<semaphore_mem>>
        tpu.enqueue_indirect_dma source(%dma_start3A_159 : memref<100000x128xf32, #tpu.memory_space<hbm>>) target(%dma_start3A_153 : memref<128x128xf32, #tpu.memory_space<vmem>>) offsets(%dma_start3A_156 : memref<128xi32, #tpu.memory_space<vmem>>) semaphore(%dma_start3A_161 : memref<!tpu.dma_semaphore, #tpu.memory_space<semaphore_mem>>)
      } else {
      }
      %dma_wait3A_68 = arith.constant 0 : i32
      %dma_wait3A_69 = arith.constant 0 : i32
      %dma_wait3A_70 = arith.constant 0 : i32
      %dma_wait3A_71 = arith.constant 0 : i32
      %dma_wait3A_72 = tpu.memref_slice %arg6[%dma_wait3A_68, %dma_wait3A_70, %dma_wait3A_71] : memref<2x128x128xf32, #tpu.memory_space<vmem>> -> memref<1x128x128xf32, #tpu.memory_space<vmem>>
      %dma_wait3A_73 = tpu.memref_squeeze %dma_wait3A_72 : memref<1x128x128xf32, #tpu.memory_space<vmem>> -> memref<128x128xf32, #tpu.memory_space<vmem>>
      %dma_wait3A_74 = arith.constant 0 : i32
      %dma_wait3A_75 = tpu.memref_slice %arg5[%add3A_63, %dma_wait3A_74] : memref<50x128xi32, #tpu.memory_space<vmem>> -> memref<1x128xi32, #tpu.memory_space<vmem>>
      %dma_wait3A_76 = tpu.memref_squeeze %dma_wait3A_75 : memref<1x128xi32, #tpu.memory_space<vmem>> -> memref<128xi32, #tpu.memory_space<vmem>>
      %dma_wait3A_77 = arith.constant 0 : i32
      %dma_wait3A_78 = arith.constant 0 : i32
      %dma_wait3A_79 = tpu.memref_slice %arg3[%dma_wait3A_77, %dma_wait3A_78] : memref<100000x128xf32, #tpu.memory_space<hbm>> -> memref<100000x128xf32, #tpu.memory_space<hbm>>
      %dma_wait3A_80 = tpu.memref_slice %arg7[%dma_wait3A_69] : memref<2x!tpu.dma_semaphore, #tpu.memory_space<semaphore_mem>> -> memref<1x!tpu.dma_semaphore, #tpu.memory_space<semaphore_mem>>
      %dma_wait3A_81 = tpu.memref_squeeze %dma_wait3A_80 : memref<1x!tpu.dma_semaphore, #tpu.memory_space<semaphore_mem>> -> memref<!tpu.dma_semaphore, #tpu.memory_space<semaphore_mem>>
      tpu.wait_indirect_dma semaphore(%dma_wait3A_81 : memref<!tpu.dma_semaphore, #tpu.memory_space<semaphore_mem>>) src(%dma_wait3A_79 : memref<100000x128xf32, #tpu.memory_space<hbm>>) dst(%dma_wait3A_73 : memref<128x128xf32, #tpu.memory_space<vmem>>)
      %dma_start3A_82 = arith.constant 0 : i32
      %dma_start3A_83 = arith.constant 0 : i32
      %dma_start3A_84 = arith.constant 0 : i32
      %dma_start3A_85 = arith.constant 0 : i32
      %dma_start3A_86 = tpu.memref_slice %arg6[%dma_start3A_82, %dma_start3A_84, %dma_start3A_85] : memref<2x128x128xf32, #tpu.memory_space<vmem>> -> memref<1x128x128xf32, #tpu.memory_space<vmem>>
      %dma_start3A_87 = tpu.memref_squeeze %dma_start3A_86 : memref<1x128x128xf32, #tpu.memory_space<vmem>> -> memref<128x128xf32, #tpu.memory_space<vmem>>
      %dma_start3A_88 = arith.constant 0 : i32
      %dma_start3A_89 = tpu.memref_slice %arg4[%add3A_63, %mul3A_2, %dma_start3A_88] : memref<50x4096x128xf32, #tpu.memory_space<hbm>> -> memref<1x128x128xf32, #tpu.memory_space<hbm>>
      %dma_start3A_90 = tpu.memref_squeeze %dma_start3A_89 : memref<1x128x128xf32, #tpu.memory_space<hbm>> -> memref<128x128xf32, #tpu.memory_space<hbm>>
      %dma_start3A_91 = tpu.memref_slice %arg8[%dma_start3A_83] : memref<2x!tpu.dma_semaphore, #tpu.memory_space<semaphore_mem>> -> memref<1x!tpu.dma_semaphore, #tpu.memory_space<semaphore_mem>>
      %dma_start3A_92 = tpu.memref_squeeze %dma_start3A_91 : memref<1x!tpu.dma_semaphore, #tpu.memory_space<semaphore_mem>> -> memref<!tpu.dma_semaphore, #tpu.memory_space<semaphore_mem>>
      %dma_start3A_93 = arith.constant 0 : i32
      %dma_start3A_94 = tpu.memref_slice %arg4[%add3A_63, %mul3A_2, %dma_start3A_93] : memref<50x4096x128xf32, #tpu.memory_space<hbm>> -> memref<1x128x128xf32, #tpu.memory_space<hbm>>
      %dma_start3A_95 = tpu.memref_squeeze %dma_start3A_94 : memref<1x128x128xf32, #tpu.memory_space<hbm>> -> memref<128x128xf32, #tpu.memory_space<hbm>>
      %dma_start3A_96 = arith.constant 0 : i32
      %dma_start3A_97 = arith.constant 0 : i32
      %dma_start3A_98 = tpu.memref_slice %arg6[%dma_start3A_82, %dma_start3A_96, %dma_start3A_97] : memref<2x128x128xf32, #tpu.memory_space<vmem>> -> memref<1x128x128xf32, #tpu.memory_space<vmem>>
      %dma_start3A_99 = tpu.memref_squeeze %dma_start3A_98 : memref<1x128x128xf32, #tpu.memory_space<vmem>> -> memref<128x128xf32, #tpu.memory_space<vmem>>
      tpu.enqueue_dma source(%dma_start3A_99 : memref<128x128xf32, #tpu.memory_space<vmem>>) target(%dma_start3A_95 : memref<128x128xf32, #tpu.memory_space<hbm>>) target_semaphore(%dma_start3A_92 : memref<!tpu.dma_semaphore, #tpu.memory_space<semaphore_mem>>)
      %mul3A_100 = arith.constant 2 : i32
      %mul3A_101 = arith.muli %scan3A_59, %mul3A_100 : i32
      %add3A_102 = arith.constant 1 : i32
      %add3A_103 = arith.addi %mul3A_101, %add3A_102 : i32
      %add3A_104 = arith.constant 1 : i32
      %add3A_105 = arith.addi %add3A_103, %add3A_104 : i32
      %lt3A_106 = arith.constant 50 : i32
      %lt3A_107 = arith.cmpi slt, %add3A_105, %lt3A_106 : i32
      %convert_element_type3A_108 = arith.extui %lt3A_107 : i1 to i32
      %cond3A_109 = arith.constant 0 : i32
      %cond3A_110 = arith.cmpi ne, %convert_element_type3A_108, %cond3A_109 : i32
      scf.if %cond3A_110 {
        %sub3A = arith.constant 2 : i32
        %sub3A_143 = arith.subi %add3A_105, %sub3A : i32
        %ge3A = arith.constant 0 : i32
        %ge3A_144 = arith.cmpi sge, %sub3A_143, %ge3A : i32
        %convert_element_type3A_145 = arith.extui %ge3A_144 : i1 to i32
        %cond3A_146 = arith.constant 0 : i32
        %cond3A_147 = arith.cmpi ne, %convert_element_type3A_145, %cond3A_146 : i32
        scf.if %cond3A_147 {
          %sub3A_162 = arith.constant 2 : i32
          %sub3A_163 = arith.subi %add3A_105, %sub3A_162 : i32
          %dma_wait3A_164 = arith.constant 0 : i32
          %dma_wait3A_165 = arith.constant 0 : i32
          %dma_wait3A_166 = arith.constant 0 : i32
          %dma_wait3A_167 = arith.constant 0 : i32
          %dma_wait3A_168 = tpu.memref_slice %arg6[%dma_wait3A_164, %dma_wait3A_166, %dma_wait3A_167] : memref<2x128x128xf32, #tpu.memory_space<vmem>> -> memref<1x128x128xf32, #tpu.memory_space<vmem>>
          %dma_wait3A_169 = tpu.memref_squeeze %dma_wait3A_168 : memref<1x128x128xf32, #tpu.memory_space<vmem>> -> memref<128x128xf32, #tpu.memory_space<vmem>>
          %dma_wait3A_170 = arith.constant 0 : i32
          %dma_wait3A_171 = tpu.memref_slice %arg4[%sub3A_163, %mul3A_2, %dma_wait3A_170] : memref<50x4096x128xf32, #tpu.memory_space<hbm>> -> memref<1x128x128xf32, #tpu.memory_space<hbm>>
          %dma_wait3A_172 = tpu.memref_squeeze %dma_wait3A_171 : memref<1x128x128xf32, #tpu.memory_space<hbm>> -> memref<128x128xf32, #tpu.memory_space<hbm>>
          %dma_wait3A_173 = tpu.memref_slice %arg8[%dma_wait3A_165] : memref<2x!tpu.dma_semaphore, #tpu.memory_space<semaphore_mem>> -> memref<1x!tpu.dma_semaphore, #tpu.memory_space<semaphore_mem>>
          %dma_wait3A_174 = tpu.memref_squeeze %dma_wait3A_173 : memref<1x!tpu.dma_semaphore, #tpu.memory_space<semaphore_mem>> -> memref<!tpu.dma_semaphore, #tpu.memory_space<semaphore_mem>>
          %dma_wait3A_175 = arith.constant 0 : i32
          %dma_wait3A_176 = tpu.memref_slice %arg4[%sub3A_163, %mul3A_2, %dma_wait3A_175] : memref<50x4096x128xf32, #tpu.memory_space<hbm>> -> memref<1x128x128xf32, #tpu.memory_space<hbm>>
          %dma_wait3A_177 = tpu.memref_squeeze %dma_wait3A_176 : memref<1x128x128xf32, #tpu.memory_space<hbm>> -> memref<128x128xf32, #tpu.memory_space<hbm>>
          %dma_wait3A_178 = arith.constant 0 : i32
          %dma_wait3A_179 = arith.constant 0 : i32
          %dma_wait3A_180 = tpu.memref_slice %arg6[%dma_wait3A_164, %dma_wait3A_178, %dma_wait3A_179] : memref<2x128x128xf32, #tpu.memory_space<vmem>> -> memref<1x128x128xf32, #tpu.memory_space<vmem>>
          %dma_wait3A_181 = tpu.memref_squeeze %dma_wait3A_180 : memref<1x128x128xf32, #tpu.memory_space<vmem>> -> memref<128x128xf32, #tpu.memory_space<vmem>>
          tpu.wait_dma2 semaphore(%dma_wait3A_174 : memref<!tpu.dma_semaphore, #tpu.memory_space<semaphore_mem>>) src(%dma_wait3A_181 : memref<128x128xf32, #tpu.memory_space<vmem>>) dst(%dma_wait3A_177 : memref<128x128xf32, #tpu.memory_space<hbm>>)
        } else {
        }
        %dma_start3A_148 = arith.constant 0 : i32
        %dma_start3A_149 = arith.constant 0 : i32
        %dma_start3A_150 = arith.constant 0 : i32
        %dma_start3A_151 = arith.constant 0 : i32
        %dma_start3A_152 = tpu.memref_slice %arg6[%dma_start3A_148, %dma_start3A_150, %dma_start3A_151] : memref<2x128x128xf32, #tpu.memory_space<vmem>> -> memref<1x128x128xf32, #tpu.memory_space<vmem>>
        %dma_start3A_153 = tpu.memref_squeeze %dma_start3A_152 : memref<1x128x128xf32, #tpu.memory_space<vmem>> -> memref<128x128xf32, #tpu.memory_space<vmem>>
        %dma_start3A_154 = arith.constant 0 : i32
        %dma_start3A_155 = tpu.memref_slice %arg5[%add3A_105, %dma_start3A_154] : memref<50x128xi32, #tpu.memory_space<vmem>> -> memref<1x128xi32, #tpu.memory_space<vmem>>
        %dma_start3A_156 = tpu.memref_squeeze %dma_start3A_155 : memref<1x128xi32, #tpu.memory_space<vmem>> -> memref<128xi32, #tpu.memory_space<vmem>>
        %dma_start3A_157 = arith.constant 0 : i32
        %dma_start3A_158 = arith.constant 0 : i32
        %dma_start3A_159 = tpu.memref_slice %arg3[%dma_start3A_157, %dma_start3A_158] : memref<100000x128xf32, #tpu.memory_space<hbm>> -> memref<100000x128xf32, #tpu.memory_space<hbm>>
        %dma_start3A_160 = tpu.memref_slice %arg7[%dma_start3A_149] : memref<2x!tpu.dma_semaphore, #tpu.memory_space<semaphore_mem>> -> memref<1x!tpu.dma_semaphore, #tpu.memory_space<semaphore_mem>>
        %dma_start3A_161 = tpu.memref_squeeze %dma_start3A_160 : memref<1x!tpu.dma_semaphore, #tpu.memory_space<semaphore_mem>> -> memref<!tpu.dma_semaphore, #tpu.memory_space<semaphore_mem>>
        tpu.enqueue_indirect_dma source(%dma_start3A_159 : memref<100000x128xf32, #tpu.memory_space<hbm>>) target(%dma_start3A_153 : memref<128x128xf32, #tpu.memory_space<vmem>>) offsets(%dma_start3A_156 : memref<128xi32, #tpu.memory_space<vmem>>) semaphore(%dma_start3A_161 : memref<!tpu.dma_semaphore, #tpu.memory_space<semaphore_mem>>)
      } else {
      }
      %dma_wait3A_111 = arith.constant 1 : i32
      %dma_wait3A_112 = arith.constant 1 : i32
      %dma_wait3A_113 = arith.constant 0 : i32
      %dma_wait3A_114 = arith.constant 0 : i32
      %dma_wait3A_115 = tpu.memref_slice %arg6[%dma_wait3A_111, %dma_wait3A_113, %dma_wait3A_114] : memref<2x128x128xf32, #tpu.memory_space<vmem>> -> memref<1x128x128xf32, #tpu.memory_space<vmem>>
      %dma_wait3A_116 = tpu.memref_squeeze %dma_wait3A_115 : memref<1x128x128xf32, #tpu.memory_space<vmem>> -> memref<128x128xf32, #tpu.memory_space<vmem>>
      %dma_wait3A_117 = arith.constant 0 : i32
      %dma_wait3A_118 = tpu.memref_slice %arg5[%add3A_103, %dma_wait3A_117] : memref<50x128xi32, #tpu.memory_space<vmem>> -> memref<1x128xi32, #tpu.memory_space<vmem>>
      %dma_wait3A_119 = tpu.memref_squeeze %dma_wait3A_118 : memref<1x128xi32, #tpu.memory_space<vmem>> -> memref<128xi32, #tpu.memory_space<vmem>>
      %dma_wait3A_120 = arith.constant 0 : i32
      %dma_wait3A_121 = arith.constant 0 : i32
      %dma_wait3A_122 = tpu.memref_slice %arg3[%dma_wait3A_120, %dma_wait3A_121] : memref<100000x128xf32, #tpu.memory_space<hbm>> -> memref<100000x128xf32, #tpu.memory_space<hbm>>
      %dma_wait3A_123 = tpu.memref_slice %arg7[%dma_wait3A_112] : memref<2x!tpu.dma_semaphore, #tpu.memory_space<semaphore_mem>> -> memref<1x!tpu.dma_semaphore, #tpu.memory_space<semaphore_mem>>
      %dma_wait3A_124 = tpu.memref_squeeze %dma_wait3A_123 : memref<1x!tpu.dma_semaphore, #tpu.memory_space<semaphore_mem>> -> memref<!tpu.dma_semaphore, #tpu.memory_space<semaphore_mem>>
      tpu.wait_indirect_dma semaphore(%dma_wait3A_124 : memref<!tpu.dma_semaphore, #tpu.memory_space<semaphore_mem>>) src(%dma_wait3A_122 : memref<100000x128xf32, #tpu.memory_space<hbm>>) dst(%dma_wait3A_116 : memref<128x128xf32, #tpu.memory_space<vmem>>)
      %dma_start3A_125 = arith.constant 1 : i32
      %dma_start3A_126 = arith.constant 1 : i32
      %dma_start3A_127 = arith.constant 0 : i32
      %dma_start3A_128 = arith.constant 0 : i32
      %dma_start3A_129 = tpu.memref_slice %arg6[%dma_start3A_125, %dma_start3A_127, %dma_start3A_128] : memref<2x128x128xf32, #tpu.memory_space<vmem>> -> memref<1x128x128xf32, #tpu.memory_space<vmem>>
      %dma_start3A_130 = tpu.memref_squeeze %dma_start3A_129 : memref<1x128x128xf32, #tpu.memory_space<vmem>> -> memref<128x128xf32, #tpu.memory_space<vmem>>
      %dma_start3A_131 = arith.constant 0 : i32
      %dma_start3A_132 = tpu.memref_slice %arg4[%add3A_103, %mul3A_2, %dma_start3A_131] : memref<50x4096x128xf32, #tpu.memory_space<hbm>> -> memref<1x128x128xf32, #tpu.memory_space<hbm>>
      %dma_start3A_133 = tpu.memref_squeeze %dma_start3A_132 : memref<1x128x128xf32, #tpu.memory_space<hbm>> -> memref<128x128xf32, #tpu.memory_space<hbm>>
      %dma_start3A_134 = tpu.memref_slice %arg8[%dma_start3A_126] : memref<2x!tpu.dma_semaphore, #tpu.memory_space<semaphore_mem>> -> memref<1x!tpu.dma_semaphore, #tpu.memory_space<semaphore_mem>>
      %dma_start3A_135 = tpu.memref_squeeze %dma_start3A_134 : memref<1x!tpu.dma_semaphore, #tpu.memory_space<semaphore_mem>> -> memref<!tpu.dma_semaphore, #tpu.memory_space<semaphore_mem>>
      %dma_start3A_136 = arith.constant 0 : i32
      %dma_start3A_137 = tpu.memref_slice %arg4[%add3A_103, %mul3A_2, %dma_start3A_136] : memref<50x4096x128xf32, #tpu.memory_space<hbm>> -> memref<1x128x128xf32, #tpu.memory_space<hbm>>
      %dma_start3A_138 = tpu.memref_squeeze %dma_start3A_137 : memref<1x128x128xf32, #tpu.memory_space<hbm>> -> memref<128x128xf32, #tpu.memory_space<hbm>>
      %dma_start3A_139 = arith.constant 0 : i32
      %dma_start3A_140 = arith.constant 0 : i32
      %dma_start3A_141 = tpu.memref_slice %arg6[%dma_start3A_125, %dma_start3A_139, %dma_start3A_140] : memref<2x128x128xf32, #tpu.memory_space<vmem>> -> memref<1x128x128xf32, #tpu.memory_space<vmem>>
      %dma_start3A_142 = tpu.memref_squeeze %dma_start3A_141 : memref<1x128x128xf32, #tpu.memory_space<vmem>> -> memref<128x128xf32, #tpu.memory_space<vmem>>
      tpu.enqueue_dma source(%dma_start3A_142 : memref<128x128xf32, #tpu.memory_space<vmem>>) target(%dma_start3A_138 : memref<128x128xf32, #tpu.memory_space<hbm>>) target_semaphore(%dma_start3A_135 : memref<!tpu.dma_semaphore, #tpu.memory_space<semaphore_mem>>)
    }
    %scan3A_21 = arith.constant 25 : i32
    %dma_wait3A = arith.constant 0 : i32
    %dma_wait3A_22 = arith.constant 48 : i32
    %dma_wait3A_23 = arith.constant 0 : i32
    %dma_wait3A_24 = arith.constant 0 : i32
    %dma_wait3A_25 = arith.constant 0 : i32
    %dma_wait3A_26 = tpu.memref_slice %arg6[%dma_wait3A, %dma_wait3A_24, %dma_wait3A_25] : memref<2x128x128xf32, #tpu.memory_space<vmem>> -> memref<1x128x128xf32, #tpu.memory_space<vmem>>
    %dma_wait3A_27 = tpu.memref_squeeze %dma_wait3A_26 : memref<1x128x128xf32, #tpu.memory_space<vmem>> -> memref<128x128xf32, #tpu.memory_space<vmem>>
    %dma_wait3A_28 = arith.constant 0 : i32
    %dma_wait3A_29 = tpu.memref_slice %arg4[%dma_wait3A_22, %mul3A_2, %dma_wait3A_28] : memref<50x4096x128xf32, #tpu.memory_space<hbm>> -> memref<1x128x128xf32, #tpu.memory_space<hbm>>
    %dma_wait3A_30 = tpu.memref_squeeze %dma_wait3A_29 : memref<1x128x128xf32, #tpu.memory_space<hbm>> -> memref<128x128xf32, #tpu.memory_space<hbm>>
    %dma_wait3A_31 = tpu.memref_slice %arg8[%dma_wait3A_23] : memref<2x!tpu.dma_semaphore, #tpu.memory_space<semaphore_mem>> -> memref<1x!tpu.dma_semaphore, #tpu.memory_space<semaphore_mem>>
    %dma_wait3A_32 = tpu.memref_squeeze %dma_wait3A_31 : memref<1x!tpu.dma_semaphore, #tpu.memory_space<semaphore_mem>> -> memref<!tpu.dma_semaphore, #tpu.memory_space<semaphore_mem>>
    %dma_wait3A_33 = arith.constant 0 : i32
    %dma_wait3A_34 = tpu.memref_slice %arg4[%dma_wait3A_22, %mul3A_2, %dma_wait3A_33] : memref<50x4096x128xf32, #tpu.memory_space<hbm>> -> memref<1x128x128xf32, #tpu.memory_space<hbm>>
    %dma_wait3A_35 = tpu.memref_squeeze %dma_wait3A_34 : memref<1x128x128xf32, #tpu.memory_space<hbm>> -> memref<128x128xf32, #tpu.memory_space<hbm>>
    %dma_wait3A_36 = arith.constant 0 : i32
    %dma_wait3A_37 = arith.constant 0 : i32
    %dma_wait3A_38 = tpu.memref_slice %arg6[%dma_wait3A, %dma_wait3A_36, %dma_wait3A_37] : memref<2x128x128xf32, #tpu.memory_space<vmem>> -> memref<1x128x128xf32, #tpu.memory_space<vmem>>
    %dma_wait3A_39 = tpu.memref_squeeze %dma_wait3A_38 : memref<1x128x128xf32, #tpu.memory_space<vmem>> -> memref<128x128xf32, #tpu.memory_space<vmem>>
    tpu.wait_dma2 semaphore(%dma_wait3A_32 : memref<!tpu.dma_semaphore, #tpu.memory_space<semaphore_mem>>) src(%dma_wait3A_39 : memref<128x128xf32, #tpu.memory_space<vmem>>) dst(%dma_wait3A_35 : memref<128x128xf32, #tpu.memory_space<hbm>>)
    %dma_wait3A_40 = arith.constant 1 : i32
    %dma_wait3A_41 = arith.constant 49 : i32
    %dma_wait3A_42 = arith.constant 1 : i32
    %dma_wait3A_43 = arith.constant 0 : i32
    %dma_wait3A_44 = arith.constant 0 : i32
    %dma_wait3A_45 = tpu.memref_slice %arg6[%dma_wait3A_40, %dma_wait3A_43, %dma_wait3A_44] : memref<2x128x128xf32, #tpu.memory_space<vmem>> -> memref<1x128x128xf32, #tpu.memory_space<vmem>>
    %dma_wait3A_46 = tpu.memref_squeeze %dma_wait3A_45 : memref<1x128x128xf32, #tpu.memory_space<vmem>> -> memref<128x128xf32, #tpu.memory_space<vmem>>
    %dma_wait3A_47 = arith.constant 0 : i32
    %dma_wait3A_48 = tpu.memref_slice %arg4[%dma_wait3A_41, %mul3A_2, %dma_wait3A_47] : memref<50x4096x128xf32, #tpu.memory_space<hbm>> -> memref<1x128x128xf32, #tpu.memory_space<hbm>>
    %dma_wait3A_49 = tpu.memref_squeeze %dma_wait3A_48 : memref<1x128x128xf32, #tpu.memory_space<hbm>> -> memref<128x128xf32, #tpu.memory_space<hbm>>
    %dma_wait3A_50 = tpu.memref_slice %arg8[%dma_wait3A_42] : memref<2x!tpu.dma_semaphore, #tpu.memory_space<semaphore_mem>> -> memref<1x!tpu.dma_semaphore, #tpu.memory_space<semaphore_mem>>
    %dma_wait3A_51 = tpu.memref_squeeze %dma_wait3A_50 : memref<1x!tpu.dma_semaphore, #tpu.memory_space<semaphore_mem>> -> memref<!tpu.dma_semaphore, #tpu.memory_space<semaphore_mem>>
    %dma_wait3A_52 = arith.constant 0 : i32
    %dma_wait3A_53 = tpu.memref_slice %arg4[%dma_wait3A_41, %mul3A_2, %dma_wait3A_52] : memref<50x4096x128xf32, #tpu.memory_space<hbm>> -> memref<1x128x128xf32, #tpu.memory_space<hbm>>
    %dma_wait3A_54 = tpu.memref_squeeze %dma_wait3A_53 : memref<1x128x128xf32, #tpu.memory_space<hbm>> -> memref<128x128xf32, #tpu.memory_space<hbm>>
    %dma_wait3A_55 = arith.constant 0 : i32
    %dma_wait3A_56 = arith.constant 0 : i32
    %dma_wait3A_57 = tpu.memref_slice %arg6[%dma_wait3A_40, %dma_wait3A_55, %dma_wait3A_56] : memref<2x128x128xf32, #tpu.memory_space<vmem>> -> memref<1x128x128xf32, #tpu.memory_space<vmem>>
    %dma_wait3A_58 = tpu.memref_squeeze %dma_wait3A_57 : memref<1x128x128xf32, #tpu.memory_space<vmem>> -> memref<128x128xf32, #tpu.memory_space<vmem>>
    tpu.wait_dma2 semaphore(%dma_wait3A_51 : memref<!tpu.dma_semaphore, #tpu.memory_space<semaphore_mem>>) src(%dma_wait3A_58 : memref<128x128xf32, #tpu.memory_space<vmem>>) dst(%dma_wait3A_54 : memref<128x128xf32, #tpu.memory_space<hbm>>)
    return
  }
}

</mosaic_0001>

<sc_bundles>
// kernel: kernel.3.cloned.1.call-start
scs
__scs_entry_jumppad:
0x0: {  	(pc) =	sbr.rel $0x88, $3  }
0x1: {  	(tag) =	ssettag $0x0;
	lr =	simm.s32 $0x1  }
0x2: {  	[smem:$0x3F9F] =	sst lr;
	_ =	strace $0xD0000000  }
0x3: {  	_ = 	snop  }
0x4: {  	_ = 	snop  }
0x5: {  	_ = 	snop  }
0x6: {  	_ = 	snop  }
0x7: {  	_ = 	snop  }
__scs_overlays_trampoline_lowered:
0x8: {  	[smem:$0x3FAE] =	sst s0  }
0x9: {  	[smem:$0x3FAF] =	sst s1  }
0xa: {  	[smem:$0x3FB0] =	sst s2  }
0xb: {  	[smem:$0x3FB1] =	sst s3  }
0xc: {  	[smem:$0x3FB2] =	sst s4  }
0xd: {  	[smem:$0x3FB3] =	sst s5  }
0xe: {  	[smem:$0x3FB4] =	sst s6  }
0xf: {  	[smem:$0x3FB5] =	sst s7  }
0x10: {  	[smem:$0x3FB6] =	sst s8  }
0x11: {  	[smem:$0x3FB7] =	sst s9;
	s0 =	simm.s32 @!p0 $0x0  }
0x12: {  	s1 =	sld [smem:$0x3F9D];
	s0 =	simm.s32 @p0 $0x1  }
0x13: {  	[smem:$0x3FB8] =	sst s0;
	s0 =	simm.s32 @!p1 $0x0  }
0x14: {  	s2 =	sld [smem:$0x3F9C];
	s0 =	simm.s32 @p1 $0x1  }
0x15: {  	[smem:$0x3FB9] =	sst s0;
	s0 =	simm.s32 @!p2 $0x0  }
0x16: {  	s3 =	sld [smem:$0x3FDB];
	s0 =	simm.s32 @p2 $0x1  }
0x17: {  	s4 =	simm.s32 $0x1BF5;
	[smem:$0x3FBB] =	sst s0  }
0x18: {  	s0 =	sld [smem:$0x3F9E];
	_ =	swait.ge [sflag:s4], $0x0  }
0x19: {  	s7 =	sld [smem:$0x3F9F]  }
0x1a: {  	s8 =	sadd.s32 $0xFFFFE003, lr  }
0x1b: {  	s9 =	sadd.s32 $0xFFFFFEF7, lr;
	s5 =	simm.s32 $0xFFFFFFFF;
	p2 =	slt.u32 s8, $0xFFFFF086  }
0x1c: {  	p1 =	slt.u32 s9, $0xF7A;
	s5 =	simm.s32 @!p2 $0x0  }
0x1d: {  	s5 =	simm.s32 @p1 $0x1;
	p0 =	seq.s32 s7, s2  }
0x1e: {  	s7 =	smul.u32 @!p0 $0xF7A, s2;
	p2 =	seq.s32 @!p0 s5, $0x0  }
0x1f: {  	s9 =	smul.u32 $0xF7A, s1;
	s8 =	simm.s32 @!p0 $0x1BF5;
	p2 =	por !p2, p0  }
0x20: {  	[sflag:s8] =	ssyncset.s32 @!p0 $0xFFFFF086;
	s6 =	sadd.s32 @!p0 s3, s7;
	s7 =	simm.s32 @!p0 $0x108  }
0x21: {  	s3 =	sadd.s32 s3, s9;
	s6 =	sadd.s32 @!p0 $0x88, s6;
	s7 =	simm.s32 @p2 $0x1082  }
0x22: {  	[simem:s7], [sflag:s8] =	dma.local @!p0 [hbm:s6], $0xF7A  }
0x23: {  	s9 =	sor.u32 $0xD0000000, s2;
	s6 =	simm.s32 $0x108;
	_ =	swait.ge @!p0 [sflag:s8], $0x0  }
0x24: {  	s3 =	sadd.s32 $0x88, s3;
	s6 =	simm.s32 @!p1 $0x1082;
	[sflag:s4] =	ssyncset.s32 $0xFFFFF086  }
0x25: {  	[simem:s6], [sflag:s4] =	dma.local [hbm:s3], $0xF7A  }
0x26: {  	[smem:$0x3F9F] =	sst s1;
	(tag) =	ssettag s2;
	_ =	strace s9  }
0x27: {  	s1 =	sld [smem:$0x3FAF]  }
0x28: {  	s2 =	sld [smem:$0x3FB0]  }
0x29: {  	s4 =	sld [smem:$0x3FB2]  }
0x2a: {  	p0 =	seq.s32 s5, $0x0;
	s5 =	sld [smem:$0x3FB3]  }
0x2b: {  	s6 =	sld [smem:$0x3FB4]  }
0x2c: {  	s7 =	sld [smem:$0x3FB5]  }
0x2d: {  	s3 =	simm.s32 $0x108;
	s8 =	sld [smem:$0x3FB6]  }
0x2e: {  	s3 =	simm.s32 @!p0 $0x1082;
	s9 =	sld [smem:$0x3FB7]  }
0x2f: {  	lr =	sadd.s32 s0, s3;
	s0 =	sld [smem:$0x3FAE]  }
0x30: {  	s3 =	sld [smem:$0x3FB1]  }
0x31: {  	[smem:$0x3FBA] =	sst s10  }
0x32: {  	s10 =	sld [smem:$0x3FB8];
	_ =	sdelay $0x3  }
0x33: {  	p0 =	seq.s32 s10, $0x1;
	s10 =	sld [smem:$0x3FBA];
	_ =	sdelay $0x3  }
0x34: {  	[smem:$0x3FBA] =	sst s10  }
0x35: {  	s10 =	sld [smem:$0x3FB9];
	_ =	sdelay $0x3  }
0x36: {  	p1 =	seq.s32 s10, $0x1;
	s10 =	sld [smem:$0x3FBA];
	_ =	sdelay $0x3  }
0x37: {  	[smem:$0x3FBA] =	sst s10  }
0x38: {  	s10 =	sld [smem:$0x3FBB]  }
0x39: {  	_ = 	snop;
	(pc) =	sbr.ind lr, $3  }
0x3a: {  	_ = 	snop  }
0x3b: {  	_ = 	snop  }
0x3c: {  	p2 =	seq.s32 s10, $0x1;
	s10 =	sld [smem:$0x3FBA]  }
0x3d: {  	_ =	shalt  }
0x3e: {  	_ =	shalt  }
0x3f: {  	_ =	shalt  }
0x40: {  	_ =	shalt  }
0x41: {  	_ =	shalt  }
0x42: {  	_ =	shalt  }
0x43: {  	_ =	shalt  }
0x44: {  	_ =	shalt  }
0x45: {  	_ =	shalt  }
0x46: {  	_ =	shalt  }
0x47: {  	_ =	shalt  }
0x48: {  	_ =	shalt  }
0x49: {  	_ =	shalt  }
0x4a: {  	_ =	shalt  }
0x4b: {  	_ =	shalt  }
0x4c: {  	_ =	shalt  }
0x4d: {  	_ =	shalt  }
0x4e: {  	_ =	shalt  }
0x4f: {  	_ =	shalt  }
0x50: {  	_ =	shalt  }
0x51: {  	_ =	shalt  }
0x52: {  	_ =	shalt  }
0x53: {  	_ =	shalt  }
0x54: {  	_ =	shalt  }
0x55: {  	_ =	shalt  }
0x56: {  	_ =	shalt  }
0x57: {  	_ =	shalt  }
0x58: {  	_ =	shalt  }
0x59: {  	_ =	shalt  }
0x5a: {  	_ =	shalt  }
0x5b: {  	_ =	shalt  }
0x5c: {  	_ =	shalt  }
0x5d: {  	_ =	shalt  }
0x5e: {  	_ =	shalt  }
0x5f: {  	_ =	shalt  }
0x60: {  	_ =	shalt  }
0x61: {  	_ =	shalt  }
0x62: {  	_ =	shalt  }
0x63: {  	_ =	shalt  }
0x64: {  	_ =	shalt  }
0x65: {  	_ =	shalt  }
0x66: {  	_ =	shalt  }
0x67: {  	_ =	shalt  }
0x68: {  	_ =	shalt  }
0x69: {  	_ =	shalt  }
0x6a: {  	_ =	shalt  }
0x6b: {  	_ =	shalt  }
0x6c: {  	_ =	shalt  }
0x6d: {  	_ =	shalt  }
0x6e: {  	_ =	shalt  }
0x6f: {  	_ =	shalt  }
0x70: {  	_ =	shalt  }
0x71: {  	_ =	shalt  }
0x72: {  	_ =	shalt  }
0x73: {  	_ =	shalt  }
0x74: {  	_ =	shalt  }
0x75: {  	_ =	shalt  }
0x76: {  	_ =	shalt  }
0x77: {  	_ =	shalt  }
0x78: {  	_ =	shalt  }
0x79: {  	_ =	shalt  }
0x7a: {  	_ =	shalt  }
0x7b: {  	_ =	shalt  }
0x7c: {  	_ =	shalt  }
0x7d: {  	_ =	shalt  }
0x7e: {  	_ =	shalt  }
0x7f: {  	_ =	shalt  }
0x80: {  	_ =	shalt  }
0x81: {  	_ =	shalt  }
0x82: {  	_ =	shalt  }
0x83: {  	_ =	shalt  }
0x84: {  	_ =	shalt  }
0x85: {  	_ =	shalt  }
0x86: {  	_ =	shalt  }
0x87: {  	_ =	shalt  }
.Lfunc_end0:
.L_simem_size_0:
called_computation_lowered:
.L_overlay_start_0:
0x88: {  	s2 =	sld [smem:$0x3FD9]  }
0x89: {  	s3 =	sld [smem:$0x3FFE];
	_ =	sdelay $0x1  }
0x8a: {  	s1 =	srdreg.scid  }
0x8b: {  	s0 =	sand.u32 $0x1, s1  }
0x8c: {  	s18 =	sshll.u32 s0, $0xA;
	s2 =	sadd.s32 s3, s2  }
0x8d: {  	s2 =	sadd.s32 s2, s18  }
0x8e: {  	[smem:$0x3FC6] =	sst s2  }
0x8f: {  	_ = 	snop  }
0x90: {  	s2 =	sld [smem:$0x3FC9]  }
0x91: {  	s19 =	sld [smem:$0x3FC8]  }
0x92: {  	s4 =	sld [smem:$0x3FD0];
	(tm) =	ssettm $0x1  }
0x93: {  	s5 =	sld [smem:$0x3FFB];
	_ =	sdelay $0x3  }
0x94: {  	_ =	strace s5  }
0x95: {  	s5 =	sld [smem:$0x3FFC];
	_ =	sdelay $0x3  }
0x96: {  	_ =	strace s5  }
0x97: {  	s5 =	sld [smem:$0x3FFD];
	_ =	sdelay $0x3  }
0x98: {  	_ =	strace s5  }
0x99: {  	_ =	strace $0x8FFFFFFF  }
0x9a: {  	s20 =	sld [smem:$0x3FDB];
	_ =	sdelay $0x1  }
0x9b: {  	s6 =	simm.s32 $_scs_section_size  }
0x9c: {  	s7 =	simm.s32 $_size__tile_overlayer_lowered;
	s8 =	simm.s32 $_tile_overlayer_lowered  }
0x9d: {  	s23 =	simm.s32 $0x1BFF;
	s22 =	sshll.u32 s8, $0x1;
	s5 =	sadd.s32 s6, s20  }
0x9e: {  	s9 =	simm.s32 $0x0;
	s21 =	sshll.u32 s7, $0x1;
	s7 =	sadd.s32 s22, s5  }
0x9f: {  	[timem:s9], [sflag:s23] =	dma.local [hbm:s7], s21  }
0xa0: {  	_ =	swait.ge [sflag:s23], s21  }
0xa1: {  	s6 =	ssub.s32 $0x0, s21;
	[sflag:s23] =	ssyncset.done $0x0  }
0xa2: {  	[sflag:s23] =	ssyncadd.s32 s6;
	_ =	sdelay $0x1  }
0xa3: {  	s24 =	simm.s32 $0x1B8B  }
0xa4: {  	_ =	swait.ge [sflag:s24], $0x1  }
0xa5: {  	[sflag:s24] =	ssyncset.done $0x0  }
0xa6: {  	s25 =	simm.s32 $0x1B8E;
	[sflag:s24] =	ssyncadd.s32 $0xFFFFFFFF  }
0xa7: {  	s26 =	simm.s32 $execute0_lowered;
	[smem:$0x3FD2] =	sst s25  }
0xa8: {  	s6 =	sshll.u32 s26, $0x1;
	_ =	strace $0x80000046;
	[dreg:$0x1] =	wrdreg $0xFFFFFFFF  }
0xa9: {  	s28 =	simm.s32 $_size_execute0_lowered;
	s5 =	sadd.s32 s5, s6;
	[dreg:$0x0] =	wrdreg $0x0  }
0xaa: {  	s6 =	sshll.u32 s28, $0x1;
	[dreg:$0x2] =	wrdreg s5  }
0xab: {  	[dreg:$0x3] =	wrdreg s6  }
0xac: {  	[dreg:$0x4] =	wrdreg $0xC0  }
0xad: {  	_ =	task [dreg:s9], $0x5FFFF  }
0xae: {  	[dreg:$0x1] =	wrdreg $0xFFFFFFFF  }
0xaf: {  	[dreg:$0x0] =	wrdreg $0x60  }
0xb0: {  	[dreg:$0x2] =	wrdreg s2  }
0xb1: {  	[dreg:$0x3] =	wrdreg s19  }
0xb2: {  	[dreg:$0x4] =	wrdreg s4  }
0xb3: {  	[dreg:$0x5] =	wrdreg $0x9  }
0xb4: {  	_ =	task.clear_ibuf [dreg:s9], $0x6FFFF;
	_ =	strace $0x90000046  }
0xb5: {  	s29 =	simm.s32 $0x9;
	_ =	strace $0x80000048  }
0xb6: {  	_ =	swait.ge [sflag:s29], $0x1  }
0xb7: {  	[sflag:s29] =	ssyncadd.s32 $0xFFFFFFFF  }
0xb8: {  	_ =	strace $0x90000048  }
0xb9: {  	_ =	sfence  }
0xba: {  	s30 =	sld [smem:$0x0];
	_ =	sdelay $0x2  }
0xbb: {  	s31 =	sshll.u32 s1, $0xD;
	s1 =	sshrl.u32 s1, $0x2  }
0xbc: {  	s3 =	sand.u32 $0x4000, s31;
	s1 =	sadd.s32 s1, s30  }
0xbd: {  	s0 =	sor.u32 s3, s0;
	s1 =	sshll.u32 s1, $0x11  }
0xbe: {  	s0 =	sor.u32 s1, s0  }
0xbf: {  	s0 =	sadd.s32 $0x8F2B, s0  }
0xc0: {  	[sflag:s0] =	ssyncadd.remote.s32 $0x1  }
0xc1: {  	_ =	sfence.sel $0xFFFF  }
0xc2: {  	[dreg:$0x0] =	wrdreg $0xFFFFFFFF;
	(pc) =	sbr.abs _section_cstart, $3  }
0xc3: {  	[dreg:$0x1] =	wrdreg $0xFFFFFFFF  }
0xc4: {  	_ =	task.clear_ibuf [dreg:s9], $0x2FFFF;
	_ =	strace $0x9FFFFFFF  }
0xc5: {  	(tm) =	ssettm $0x7FFFFFFF  }
tec
execute0_lowered:
.L_overlay_start_1:
0x0: {  	(tag) =	ssettag $0x1  }
0x1: {  	s0 =	rddreg [dreg:$0x0]  }
0x2: {  	s2 =	rddreg [dreg:$0x1];
	s4 =	srdreg.scid  }
0x3: {  	s3 =	rddreg [dreg:$0x2];
	s1 =	stileid.u32  }
0x4: {  	s14 =	simm.s32 $0x400;
	s15 =	simm.s32 $0x8000;
	s16 =	simm.s32 $0x1800  }
0x5: {  	s17 =	simm.s32 $0x5;
	s18 =	simm.s32 $0x80;
	s19 =	simm.s32 $0x1C00  }
0x6: {  	s20 =	simm.s32 $0x5C00;
	s21 =	simm.s32 $0x1;
	s22 =	simm.s32 $0x3  }
0x7: {  	s23 =	simm.s32 $0x100;
	s28 =	simm.s32 $0x0;
	s7 =	sand.u32 $0x1, s4  }
0x8: {  	s5 =	sshll.u32 s1, $0x8;
	s4 =	simm.s32 $0x0;
	s29 =	sshll.u32 s1, $0xF  }
0x9: {  	s6 =	sshll.u32 s7, $0x7;
	s8 =	ssub.s32 $0x2, s7;
	[smem:$0x7FF] =	sst s4  }
0xa: {  	s10 =	sshll.u32 s7, $0xE;
	s9 =	sor.u32 s6, s5;
	s24 =	sshrl.u32 s8, $0x1  }
0xb: {  	_ =	strace $0x80000047;
	s30 =	sor.u32 s10, s29;
	s5 =	sadd.s32 s0, s9  }
0xc: {  	s25 =	ssub.s32 s8, s24;
	s26 =	sshll.u32 s9, $0x4;
	s13 =	sor.u32 $0x180000, s30  }
0xd: {  	s12 =	sor.u32 $0x100000, s30;
	s24 =	simm.s32 $0x2;
	s6 =	sadd.s32 $0x6000, s5  }
0xe: {  	s7 =	smax.u32 s25, $0x1;
	s8 =	sadd.s32 s3, s26;
	s31 =	sshrl.u32 s13, $0x3  }
0xf: {  	s25 =	simm.s32 $0x4;
	s26 =	simm.s32 $0x1880;
	s9 =	sadd.s32 $0x10000, s8  }
0x10: {  	s10 =	sadd.s32 $0x300000, s8;
	s11 =	sadd.s32 $0x310000, s8;
	s13 =	sadd.s32 s31, s3  }
.LBB2_1:
0x11: {  	[tilespmem:s4], [sflag:$0x5] =	stream.strided.gather [hbm4b:s5+s14], $0x1800, s15, s14, $0x38;
	[tilespmem:$0x9C00] =	vst v63  }
0x12: {  	_ = 	snop  }
0x13: {  	[tilespmem:s16], [sflag:$0x5] =	stream.linear.gather [hbm4b:s6+s4], $0x100, $0x38;
	[tilespmem:$0x9C00] =	vst v63  }
0x14: {  	_ =	swait.ge [sflag:s17], $0x1900  }
0x15: {  	[sflag:s17] =	ssyncset.done $0x0  }
0x16: {  	[sflag:s17] =	ssyncadd.s32 $0xFFFFE700  }
0x17: {  	[tilespmem:s19], [sflag:$0x1] =	stream.indirect.gather [hbm4b:s2+s18], $0x80, s4, s18, $0xb8;
	[tilespmem:$0x9C00] =	vst v63  }
0x18: {  	_ = 	snop  }
0x19: {  	[tilespmem:s20], [sflag:$0x2] =	stream.indirect.gather [hbm4b:s2+s18], $0x80, s18, s18, $0xb8;
	[tilespmem:$0x9C00] =	vst v63  }
0x1a: {  	_ =	swait.ge [sflag:s21], $0x4000  }
0x1b: {  	[sflag:s21] =	ssyncset.done $0x0  }
0x1c: {  	[sflag:s21] =	ssyncadd.s32 $0xFFFFC000  }
0x1d: {  	[hbm4b:s8+s4] =	stream.linear.scatter [tilespmem:s19], [sflag:$0x3], $0x4000, $0x38;
	[tilespmem:$0x9C00] =	vst v63  }
0x1e: {  	_ =	swait.ge [sflag:s22], $0x4000  }
0x1f: {  	[sflag:s22] =	ssyncset.done $0x0  }
0x20: {  	[sflag:s22] =	ssyncadd.s32 $0xFFFFC000  }
0x21: {  	[tilespmem:s19], [sflag:$0x1] =	stream.indirect.gather [hbm4b:s2+s18], $0x80, s23, s18, $0xb8;
	[tilespmem:$0x9C00] =	vst v63  }
0x22: {  	_ =	swait.ge [sflag:s24], $0x4000  }
0x23: {  	[sflag:s24] =	ssyncset.done $0x0  }
0x24: {  	[sflag:s24] =	ssyncadd.s32 $0xFFFFC000  }
0x25: {  	[hbm4b:s9+s4] =	stream.linear.scatter [tilespmem:s20], [sflag:$0x4], $0x4000, $0x38;
	[tilespmem:$0x9C00] =	vst v63  }
0x26: {  	_ =	swait.ge [sflag:s25], $0x4000  }
0x27: {  	[sflag:s25] =	ssyncset.done $0x0  }
0x28: {  	s0 =	simm.s32 $0x180;
	[sflag:s25] =	ssyncadd.s32 $0xFFFFC000  }
0x29: {  	[tilespmem:s20], [sflag:$0x2] =	stream.indirect.gather [hbm4b:s2+s18], $0x80, s0, s18, $0xb8;
	[tilespmem:$0x9C00] =	vst v63  }
0x2a: {  	_ =	swait.ge [sflag:s21], $0x4000  }
0x2b: {  	s1 =	sshrl.u32 s12, $0x3;
	[sflag:s21] =	ssyncset.done $0x0  }
0x2c: {  	s0 =	sadd.s32 s3, s1;
	[sflag:s21] =	ssyncadd.s32 $0xFFFFC000  }
0x2d: {  	[hbm4b:s0+s4] =	stream.linear.scatter [tilespmem:s19], [sflag:$0x3], $0x4000, $0x38;
	[tilespmem:$0x9C00] =	vst v63  }
0x2e: {  	_ =	swait.ge [sflag:s22], $0x4000  }
0x2f: {  	[sflag:s22] =	ssyncset.done $0x0  }
0x30: {  	s1 =	simm.s32 $0x200;
	[sflag:s22] =	ssyncadd.s32 $0xFFFFC000  }
0x31: {  	[tilespmem:s19], [sflag:$0x1] =	stream.indirect.gather [hbm4b:s2+s18], $0x80, s1, s18, $0xb8;
	[tilespmem:$0x9C00] =	vst v63  }
0x32: {  	_ =	swait.ge [sflag:s24], $0x4000  }
0x33: {  	s29 =	simm.s32 $0x20000;
	s30 =	sadd.s32 $0x100000, s12;
	[sflag:s24] =	ssyncset.done $0x0  }
0x34: {  	s31 =	simm.s32 $0x300;
	s0 =	sadd.s32 $0x0, s13;
	[sflag:s24] =	ssyncadd.s32 $0xFFFFC000  }
.LBB2_2:
0x35: {  	[hbm4b:s0+s4] =	stream.linear.scatter [tilespmem:s20], [sflag:$0x4], $0x4000, $0x38;
	[tilespmem:$0x9C00] =	vst v63  }
0x36: {  	s0 =	smov.u32 s29  }
0x37: {  	p0 =	sne.s32 s29, $0x2C0000;
	s29 =	sadd.s32 $0x20000, s29;
	_ =	swait.ge [sflag:s25], $0x4000  }
0x38: {  	[sflag:s25] =	ssyncset.done $0x0  }
0x39: {  	s1 =	sadd.s32 $0xFFFFFF80, s31;
	[sflag:s25] =	ssyncadd.s32 $0xFFFFC000  }
0x3a: {  	[tilespmem:s20], [sflag:$0x2] =	stream.indirect.gather [hbm4b:s2+s18], $0x80, s1, s18, $0xb8;
	[tilespmem:$0x9C00] =	vst v63  }
0x3b: {  	_ =	swait.ge [sflag:s21], $0x4000  }
0x3c: {  	s1 =	sshrl.u32 s30, $0x3;
	[sflag:s21] =	ssyncset.done $0x0  }
0x3d: {  	s1 =	sadd.s32 s3, s1;
	[sflag:s21] =	ssyncadd.s32 $0xFFFFC000  }
0x3e: {  	[hbm4b:s1+s4] =	stream.linear.scatter [tilespmem:s19], [sflag:$0x3], $0x4000, $0x38;
	[tilespmem:$0x9C00] =	vst v63  }
0x3f: {  	_ =	swait.ge [sflag:s22], $0x4000  }
0x40: {  	[sflag:s22] =	ssyncset.done $0x0  }
.Ltmp0:
0x41: {  	[sflag:s22] =	ssyncadd.s32 $0xFFFFC000;
	(pc) =	sbr.rel @p0 .LBB2_2-.Ltmp0, $4  }
0x42: {  	[tilespmem:s19], [sflag:$0x1] =	stream.indirect.gather [hbm4b:s2+s18], $0x80, s31, s18, $0xb8;
	[tilespmem:$0x9C00] =	vst v63  }
0x43: {  	_ =	swait.ge [sflag:s24], $0x4000  }
0x44: {  	s30 =	sadd.s32 $0x100000, s30;
	[sflag:s24] =	ssyncset.done $0x0  }
0x45: {  	s0 =	sadd.s32 s0, s13;
	s31 =	sadd.s32 $0x100, s31;
	[sflag:s24] =	ssyncadd.s32 $0xFFFFC000  }
0x46: {  	[hbm4b:s0+s4] =	stream.linear.scatter [tilespmem:s20], [sflag:$0x4], $0x4000, $0x38;
	[tilespmem:$0x9C00] =	vst v63  }
0x47: {  	_ =	swait.ge [sflag:s25], $0x4000  }
0x48: {  	[sflag:s25] =	ssyncset.done $0x0  }
0x49: {  	[sflag:s25] =	ssyncadd.s32 $0xFFFFC000  }
0x4a: {  	[tilespmem:s20], [sflag:$0x2] =	stream.indirect.gather [hbm4b:s2+s18], $0x80, s26, s18, $0xb8;
	[tilespmem:$0x9C00] =	vst v63  }
0x4b: {  	_ =	swait.ge [sflag:s21], $0x4000  }
0x4c: {  	[sflag:s21] =	ssyncset.done $0x0  }
0x4d: {  	[sflag:s21] =	ssyncadd.s32 $0xFFFFC000  }
0x4e: {  	[hbm4b:s10+s4] =	stream.linear.scatter [tilespmem:s19], [sflag:$0x3], $0x4000, $0x38;
	[tilespmem:$0x9C00] =	vst v63  }
0x4f: {  	_ =	swait.ge [sflag:s24], $0x4000  }
0x50: {  	[sflag:s24] =	ssyncset.done $0x0  }
0x51: {  	s28 =	sadd.s32 $0x1, s28;
	[sflag:s24] =	ssyncadd.s32 $0xFFFFC000  }
0x52: {  	[hbm4b:s11+s4] =	stream.linear.scatter [tilespmem:s20], [sflag:$0x4], $0x4000, $0x38;
	[tilespmem:$0x9C00] =	vst v63  }
0x53: {  	p0 =	sne.s32 s28, s7;
	_ =	swait.ge [sflag:s22], $0x4000  }
.Ltmp1:
0x54: {  	[sflag:s22] =	ssyncset.done $0x0;
	(pc) =	sbr.rel @p0 .LBB2_1-.Ltmp1, $4  }
0x55: {  	[sflag:s22] =	ssyncadd.s32 $0xFFFFC000  }
0x56: {  	_ =	swait.ge [sflag:s25], $0x4000  }
0x57: {  	[sflag:s25] =	ssyncset.done $0x0  }
0x58: {  	[sflag:s25] =	ssyncadd.s32 $0xFFFFC000  }
0x59: {  	_ =	sfence.sel $0x180000  }
0x5a: {  	[bflag:$0x0] =	sbarrier.arrive $0xFFFF  }
0x5b: {  	_ =	strace $0x90000047  }
0x5c: {  	s0 =	stileid.u32;
	[bflag:$0x2] =	sbarrier.arrive $0xFFFF  }
0x5d: {  	p0 =	sne.s32 s0, $0x0;
	s0 =	rddreg [dreg:$0x3]  }
0x5e: {  	s0 =	sadd.s32 @!p0 $0x100000, s0  }
0x5f: {  	[sflag:s0] =	ssyncadd.tile.s32 @!p0 $0x1;
	_ =	shalt  }
.Lfunc_end2:
_tile_overlayer_lowered:
.L_overlay_start_2:
0x60: {  	(tag) =	ssettag $0x2  }
0x61: {  	s0 =	rddreg [dreg:$0x0];
	s2 =	stileid.u32  }
0x62: {  	s1 =	rddreg [dreg:$0x1];
	p0 =	sne.s32 s2, $0x0  }
0x63: {  	s3 =	rddreg [dreg:$0x2];
	[bflag:$0x3] =	sbarrier.arrive $0xFFFF;
	s2 =	simm.s32 @!p0 $0x1C05  }
0x64: {  	[timem:s3], [sflag:s2] =	dma.local @!p0 [hbm:s0], s1  }
0x65: {  	s0 =	simm.s32 @!p0 $0x5  }
0x66: {  	_ =	swait.ge @!p0 [sflag:s0], s1  }
0x67: {  	s1 =	ssub.s32 @!p0 $0x0, s1;
	[sflag:s0] =	ssyncset.done @!p0 $0x0  }
0x68: {  	[sflag:s0] =	ssyncadd.s32 @!p0 s1  }
0x69: {  	[bflag:$0x3] =	sbarrier.arrive $0xFFFF  }
0x6a: {  	_ =	shalt  }

</sc_bundles>
